<compile_context>
chip_gen: v7x
topology: tpu7x:2x2x1
jax: 0.10.2.dev20260603
libtpu: 0.0.44.dev20260713+nightly
codegen_flags: <defaults>
</compile_context>

<pallas_src>
import jax
import jax.numpy as jnp
from jax import lax
from jax.experimental import pallas as pl
from jax.experimental.pallas import tpu as pltpu
from jax.experimental.pallas import tpu_sc as plsc

NUM_POINTS = 4096
DIMS = 128
BATCH = 512

_NC = 2
_NS = 16
_NW = _NC * _NS
_BPW = BATCH // _NW
_L = 16


def _sc_gather_body(idx_hbm, graph_hbm, g_out,
                    idx_all, rows, gcols, *sems):
    c = lax.axis_index("c")
    s = lax.axis_index("s")
    wid = s * _NC + c
    base = wid * _BPW
    nchunk = 2
    rpc = _BPW // nchunk
    pltpu.sync_copy(idx_hbm, idx_all)
    cps = []
    for ch in range(nchunk):
        cps.append(pltpu.async_copy(
            graph_hbm.at[idx_all.at[pl.ds(base + ch * rpc, rpc)]],
            rows.at[pl.ds(ch * rpc, rpc)], sems[ch]))

    def make_col_block(lo):
        def col_block(jb, carry):
            cols = idx_all[pl.ds(jb * _L, _L)]
            for li in range(lo, lo + rpc):
                rsel = jnp.full((_L,), li, jnp.int32)
                vals = plsc.load_gather(rows, [rsel, cols])
                gcols[li, pl.ds(jb * _L, _L)] = vals
            return carry
        return col_block

    outs = []
    for ch in range(nchunk):
        cps[ch].wait()
        lax.fori_loop(0, BATCH // _L, make_col_block(ch * rpc), 0)
        outs.append(pltpu.async_copy(
            gcols.at[pl.ds(ch * rpc, rpc)],
            g_out.at[pl.ds(base + ch * rpc, rpc)], sems[ch]))
    for cp in outs:
        cp.wait()


_sc_gather = pl.kernel(
    _sc_gather_body,
    out_type=jax.ShapeDtypeStruct((BATCH, BATCH), jnp.float32),
    mesh=plsc.VectorSubcoreMesh(core_axis_name="c", subcore_axis_name="s"),
    compiler_params=pltpu.CompilerParams(needs_layout_passes=False),
    scratch_types=[
        pltpu.VMEM((BATCH,), jnp.int32),
        pltpu.VMEM((_BPW, NUM_POINTS), jnp.float32),
        pltpu.VMEM((_BPW, BATCH), jnp.float32),
        pltpu.SemaphoreType.DMA,
        pltpu.SemaphoreType.DMA,
        pltpu.SemaphoreType.DMA,
        pltpu.SemaphoreType.DMA,
    ],
)


def _tc_dist_body(idx_ref, emb_ref, d2_ref):
    iv = idx_ref[...]
    emb = emb_ref[...]
    oh = (lax.broadcasted_iota(jnp.int32, (BATCH, NUM_POINTS), 1)
          == iv[:, None]).astype(jnp.float32)
    x = lax.dot_general(oh, emb, (((1,), (0,)), ((), ())),
                        preferred_element_type=jnp.float32)
    xx = lax.dot_general(x, x, (((1,), (1,)), ((), ())),
                         preferred_element_type=jnp.float32)
    n2 = jnp.sum(x * x, axis=1)
    d2 = n2[:, None] + n2[None, :] - 2.0 * xx + 1e-12
    d2_ref[...] = d2.astype(jnp.bfloat16)


_tc_dist = pl.pallas_call(
    _tc_dist_body,
    out_shape=jax.ShapeDtypeStruct((BATCH, BATCH), jnp.bfloat16),
)


def _tc_loss_body(d2_ref, g_ref, o_ref):
    d2 = d2_ref[...].astype(jnp.float32)
    g = g_ref[...]
    m = jnp.abs(d2 / (g * g) - 1.0)
    row = lax.broadcasted_iota(jnp.int32, (BATCH, BATCH), 0)
    col = lax.broadcasted_iota(jnp.int32, (BATCH, BATCH), 1)
    o_ref[0, 0] = jnp.sum(jnp.where(row < col, m, 0.0))


_tc_loss = pl.pallas_call(
    _tc_loss_body,
    out_shape=jax.ShapeDtypeStruct((1, 1), jnp.float32),
    out_specs=pl.BlockSpec(memory_space=pltpu.SMEM),
)


def kernel(input_index, embeds, graph):
    idx = input_index.astype(jnp.int32)
    d2 = _tc_dist(idx, embeds)
    gmat = _sc_gather(idx, graph)
    return _tc_loss(d2, gmat)[0, 0]

# --- scband reference (transcript-rebuilt; emitter-appended) ---
"""Pipeline reference for scband-model-9826885173444 (READ-ONLY COPY).

The authoritative reference and input builder live on the scoring server;
editing this copy changes nothing except your own understanding.
"""

import jax, jax.numpy as jnp
import numpy as np

NUM_POINTS = 4096
DIMS = 128
BATCH = 512


def setup_inputs(seed: int = 0) -> dict:
    key = jax.random.key(seed)
    k1, k2, k3 = jax.random.split(key, 3)
    input_index = jax.random.randint(k1, (BATCH,), 0, NUM_POINTS)
    # learned embedding table (euclidean manifold parameter)
    embeds = jax.random.normal(k2, (NUM_POINTS, DIMS), dtype=jnp.float32)
    # precomputed graph distances (n x n), strictly positive to avoid div-by-zero
    graph = jax.random.uniform(k3, (NUM_POINTS, NUM_POINTS), dtype=jnp.float32, minval=0.5, maxval=10.0)
    return {"input_index": input_index, "embeds": embeds, "graph": graph}


def _get_src_and_dst_from_seq(input_index):
    # all unordered pairs (i < j) of the indices in the batch sequence
    b = input_index.shape[0]
    iu, ju = jnp.triu_indices(b, k=1)
    src = jnp.take(input_index, iu)
    dst = jnp.take(input_index, ju)
    return src, dst


def reference(input_index, embeds, graph):
    src, dst = _get_src_and_dst_from_seq(input_index)
    # embedding gather (SparseCore-mappable)
    src_embeds = jnp.take(embeds, src, axis=0)
    dst_embeds = jnp.take(embeds, dst, axis=0)
    # Euclidean manifold distance: ||u - v||_2
    manifold_distances = jnp.sqrt(jnp.sum((src_embeds - dst_embeds) ** 2, axis=-1) + 1e-12)
    # gather precomputed graph distances
    graph_distances = graph[src, dst]
    loss = (manifold_distances / graph_distances) ** 2
    loss = jnp.abs(loss - 1.0)
    return loss.sum()

if __name__ == "__main__":
    import jax
    _d = setup_inputs()
    print(jax.jit(kernel)(*tuple(_d.values())))

</pallas_src>

<mosaic_0001>
#map = affine_map<(d0, d1) -> (0)>
#map1 = affine_map<(d0, d1) -> (0, 0)>
module attributes {stable_mosaic.version = 14 : i64} {
  func.func @_sc_gather_body(%arg0: i32, %arg1: i32, %arg2: memref<512xi32, #tpu.memory_space<hbm>>, %arg3: memref<4096x4096xf32, #tpu.memory_space<hbm>>, %arg4: memref<512x512xf32, #tpu.memory_space<hbm>>, %arg5: memref<512xi32, #tpu.memory_space<vmem>>, %arg6: memref<16x4096xf32, #tpu.memory_space<vmem>>, %arg7: memref<16x512xf32, #tpu.memory_space<vmem>>, %arg8: memref<!tpu.dma_semaphore, #tpu.memory_space<semaphore_mem>>, %arg9: memref<!tpu.dma_semaphore, #tpu.memory_space<semaphore_mem>>, %arg10: memref<!tpu.dma_semaphore, #tpu.memory_space<semaphore_mem>>, %arg11: memref<!tpu.dma_semaphore, #tpu.memory_space<semaphore_mem>>) attributes {dimension_semantics = [#tpu.dimension_semantics<core_parallel>, #tpu.dimension_semantics<subcore_parallel>], iteration_bounds = array<i64: 2, 16>, scalar_prefetch = 0 : i64, scratch_operands = 7 : i64, tpu.core_type = #tpu.core_type<sc_vector_subcore>, window_params = [{transform_indices = #map}, {transform_indices = #map1}, {transform_indices = #map1}]} {
    %mul3A = arith.constant 2 : i32
    %mul3A_0 = arith.muli %arg1, %mul3A : i32
    %add3A = arith.addi %mul3A_0, %arg0 : i32
    %mul3A_1 = arith.constant 16 : i32
    %mul3A_2 = arith.muli %add3A, %mul3A_1 : i32
    "tpu.region"() ({
      %run_scoped3A = tpu.sem_alloc : memref<!tpu.dma_semaphore, #tpu.memory_space<semaphore_mem>>
      tpu.enqueue_dma source(%arg2 : memref<512xi32, #tpu.memory_space<hbm>>) target(%arg5 : memref<512xi32, #tpu.memory_space<vmem>>) target_semaphore(%run_scoped3A : memref<!tpu.dma_semaphore, #tpu.memory_space<semaphore_mem>>)
      tpu.wait_dma2 semaphore(%run_scoped3A : memref<!tpu.dma_semaphore, #tpu.memory_space<semaphore_mem>>) src(%arg2 : memref<512xi32, #tpu.memory_space<hbm>>) dst(%arg5 : memref<512xi32, #tpu.memory_space<vmem>>)
      tpu.yield
    }) : () -> ()
    %add3A_3 = arith.constant 0 : i32
    %add3A_4 = arith.addi %mul3A_2, %add3A_3 : i32
    %dma_start3A = arith.constant 0 : i32
    %dma_start3A_5 = arith.constant 0 : i32
    %dma_start3A_6 = tpu.memref_slice %arg6[%dma_start3A, %dma_start3A_5] : memref<16x4096xf32, #tpu.memory_space<vmem>> -> memref<8x4096xf32, #tpu.memory_space<vmem>>
    %dma_start3A_7 = tpu.memref_slice %arg5[%add3A_4] : memref<512xi32, #tpu.memory_space<vmem>> -> memref<8xi32, #tpu.memory_space<vmem>>
    %dma_start3A_8 = arith.constant 0 : i32
    %dma_start3A_9 = arith.constant 0 : i32
    %dma_start3A_10 = tpu.memref_slice %arg3[%dma_start3A_8, %dma_start3A_9] : memref<4096x4096xf32, #tpu.memory_space<hbm>> -> memref<4096x4096xf32, #tpu.memory_space<hbm>>
    tpu.enqueue_indirect_dma source(%dma_start3A_10 : memref<4096x4096xf32, #tpu.memory_space<hbm>>) target(%dma_start3A_6 : memref<8x4096xf32, #tpu.memory_space<vmem>>) offsets(%dma_start3A_7 : memref<8xi32, #tpu.memory_space<vmem>>) semaphore(%arg8 : memref<!tpu.dma_semaphore, #tpu.memory_space<semaphore_mem>>)
    %add3A_11 = arith.constant 8 : i32
    %add3A_12 = arith.addi %mul3A_2, %add3A_11 : i32
    %dma_start3A_13 = arith.constant 8 : i32
    %dma_start3A_14 = arith.constant 0 : i32
    %dma_start3A_15 = tpu.memref_slice %arg6[%dma_start3A_13, %dma_start3A_14] : memref<16x4096xf32, #tpu.memory_space<vmem>> -> memref<8x4096xf32, #tpu.memory_space<vmem>>
    %dma_start3A_16 = tpu.memref_slice %arg5[%add3A_12] : memref<512xi32, #tpu.memory_space<vmem>> -> memref<8xi32, #tpu.memory_space<vmem>>
    %dma_start3A_17 = arith.constant 0 : i32
    %dma_start3A_18 = arith.constant 0 : i32
    %dma_start3A_19 = tpu.memref_slice %arg3[%dma_start3A_17, %dma_start3A_18] : memref<4096x4096xf32, #tpu.memory_space<hbm>> -> memref<4096x4096xf32, #tpu.memory_space<hbm>>
    tpu.enqueue_indirect_dma source(%dma_start3A_19 : memref<4096x4096xf32, #tpu.memory_space<hbm>>) target(%dma_start3A_15 : memref<8x4096xf32, #tpu.memory_space<vmem>>) offsets(%dma_start3A_16 : memref<8xi32, #tpu.memory_space<vmem>>) semaphore(%arg9 : memref<!tpu.dma_semaphore, #tpu.memory_space<semaphore_mem>>)
    %dma_wait3A = arith.constant 0 : i32
    %dma_wait3A_20 = arith.constant 0 : i32
    %dma_wait3A_21 = tpu.memref_slice %arg6[%dma_wait3A, %dma_wait3A_20] : memref<16x4096xf32, #tpu.memory_space<vmem>> -> memref<8x4096xf32, #tpu.memory_space<vmem>>
    %dma_wait3A_22 = tpu.memref_slice %arg5[%add3A_4] : memref<512xi32, #tpu.memory_space<vmem>> -> memref<8xi32, #tpu.memory_space<vmem>>
    %dma_wait3A_23 = arith.constant 0 : i32
    %dma_wait3A_24 = arith.constant 0 : i32
    %dma_wait3A_25 = tpu.memref_slice %arg3[%dma_wait3A_23, %dma_wait3A_24] : memref<4096x4096xf32, #tpu.memory_space<hbm>> -> memref<4096x4096xf32, #tpu.memory_space<hbm>>
    tpu.wait_indirect_dma semaphore(%arg8 : memref<!tpu.dma_semaphore, #tpu.memory_space<semaphore_mem>>) src(%dma_wait3A_25 : memref<4096x4096xf32, #tpu.memory_space<hbm>>) dst(%dma_wait3A_21 : memref<8x4096xf32, #tpu.memory_space<vmem>>)
    %scan3A = arith.constant 0 : i32
    %scan3A_26 = arith.constant 0 : i32
    %scan3A_27 = arith.constant 32 : i32
    %scan3A_28 = arith.addi %scan3A_26, %scan3A_27 : i32
    %scan3A_29 = arith.constant 1 : i32
    scf.for %scan3A_88 = %scan3A_26 to %scan3A_28 step %scan3A_29  : i32 {
      %mul3A_89 = arith.constant 16 : i32
      %mul3A_90 = arith.muli %scan3A_88, %mul3A_89 : i32
      %get3A = arith.index_cast %mul3A_90 : i32 to index
      %get3A_91 = tpu.vector_load %arg5[%get3A] {strides = array<i32>} : memref<512xi32, #tpu.memory_space<vmem>>, vector<16xi32>,
      %broadcast_in_dim3A = arith.constant 0 : i32
      %broadcast_in_dim3A_92 = vector.broadcast %broadcast_in_dim3A : i32 to vector<16xi32>
      %gather3A = tpu.vector_load_idx %arg6[%broadcast_in_dim3A_92, %get3A_91] : memref<16x4096xf32, #tpu.memory_space<vmem>>[vector<16xi32>, vector<16xi32>], vector<16xf32>,
      %mul3A_93 = arith.constant 16 : i32
      %mul3A_94 = arith.muli %scan3A_88, %mul3A_93 : i32
      %swap3A = arith.constant 0 : i32
      %swap3A_95 = arith.index_cast %swap3A : i32 to index
      %swap3A_96 = arith.index_cast %mul3A_94 : i32 to index
      %swap3A_97 = tpu.vector_load %arg7[%swap3A_95, %swap3A_96] {strides = array<i32>} : memref<16x512xf32, #tpu.memory_space<vmem>>, vector<16xf32>,
      tpu.vector_store %arg7[%swap3A_95, %swap3A_96], %gather3A {strides = array<i32>} : memref<16x512xf32, #tpu.memory_space<vmem>>, vector<16xf32>,
      %broadcast_in_dim3A_98 = arith.constant 1 : i32
      %broadcast_in_dim3A_99 = vector.broadcast %broadcast_in_dim3A_98 : i32 to vector<16xi32>
      %gather3A_100 = tpu.vector_load_idx %arg6[%broadcast_in_dim3A_99, %get3A_91] : memref<16x4096xf32, #tpu.memory_space<vmem>>[vector<16xi32>, vector<16xi32>], vector<16xf32>,
      %mul3A_101 = arith.constant 16 : i32
      %mul3A_102 = arith.muli %scan3A_88, %mul3A_101 : i32
      %swap3A_103 = arith.constant 1 : i32
      %swap3A_104 = arith.index_cast %swap3A_103 : i32 to index
      %swap3A_105 = arith.index_cast %mul3A_102 : i32 to index
      %swap3A_106 = tpu.vector_load %arg7[%swap3A_104, %swap3A_105] {strides = array<i32>} : memref<16x512xf32, #tpu.memory_space<vmem>>, vector<16xf32>,
      tpu.vector_store %arg7[%swap3A_104, %swap3A_105], %gather3A_100 {strides = array<i32>} : memref<16x512xf32, #tpu.memory_space<vmem>>, vector<16xf32>,
      %broadcast_in_dim3A_107 = arith.constant 2 : i32
      %broadcast_in_dim3A_108 = vector.broadcast %broadcast_in_dim3A_107 : i32 to vector<16xi32>
      %gather3A_109 = tpu.vector_load_idx %arg6[%broadcast_in_dim3A_108, %get3A_91] : memref<16x4096xf32, #tpu.memory_space<vmem>>[vector<16xi32>, vector<16xi32>], vector<16xf32>,
      %mul3A_110 = arith.constant 16 : i32
      %mul3A_111 = arith.muli %scan3A_88, %mul3A_110 : i32
      %swap3A_112 = arith.constant 2 : i32
      %swap3A_113 = arith.index_cast %swap3A_112 : i32 to index
      %swap3A_114 = arith.index_cast %mul3A_111 : i32 to index
      %swap3A_115 = tpu.vector_load %arg7[%swap3A_113, %swap3A_114] {strides = array<i32>} : memref<16x512xf32, #tpu.memory_space<vmem>>, vector<16xf32>,
      tpu.vector_store %arg7[%swap3A_113, %swap3A_114], %gather3A_109 {strides = array<i32>} : memref<16x512xf32, #tpu.memory_space<vmem>>, vector<16xf32>,
      %broadcast_in_dim3A_116 = arith.constant 3 : i32
      %broadcast_in_dim3A_117 = vector.broadcast %broadcast_in_dim3A_116 : i32 to vector<16xi32>
      %gather3A_118 = tpu.vector_load_idx %arg6[%broadcast_in_dim3A_117, %get3A_91] : memref<16x4096xf32, #tpu.memory_space<vmem>>[vector<16xi32>, vector<16xi32>], vector<16xf32>,
      %mul3A_119 = arith.constant 16 : i32
      %mul3A_120 = arith.muli %scan3A_88, %mul3A_119 : i32
      %swap3A_121 = arith.constant 3 : i32
      %swap3A_122 = arith.index_cast %swap3A_121 : i32 to index
      %swap3A_123 = arith.index_cast %mul3A_120 : i32 to index
      %swap3A_124 = tpu.vector_load %arg7[%swap3A_122, %swap3A_123] {strides = array<i32>} : memref<16x512xf32, #tpu.memory_space<vmem>>, vector<16xf32>,
      tpu.vector_store %arg7[%swap3A_122, %swap3A_123], %gather3A_118 {strides = array<i32>} : memref<16x512xf32, #tpu.memory_space<vmem>>, vector<16xf32>,
      %broadcast_in_dim3A_125 = arith.constant 4 : i32
      %broadcast_in_dim3A_126 = vector.broadcast %broadcast_in_dim3A_125 : i32 to vector<16xi32>
      %gather3A_127 = tpu.vector_load_idx %arg6[%broadcast_in_dim3A_126, %get3A_91] : memref<16x4096xf32, #tpu.memory_space<vmem>>[vector<16xi32>, vector<16xi32>], vector<16xf32>,
      %mul3A_128 = arith.constant 16 : i32
      %mul3A_129 = arith.muli %scan3A_88, %mul3A_128 : i32
      %swap3A_130 = arith.constant 4 : i32
      %swap3A_131 = arith.index_cast %swap3A_130 : i32 to index
      %swap3A_132 = arith.index_cast %mul3A_129 : i32 to index
      %swap3A_133 = tpu.vector_load %arg7[%swap3A_131, %swap3A_132] {strides = array<i32>} : memref<16x512xf32, #tpu.memory_space<vmem>>, vector<16xf32>,
      tpu.vector_store %arg7[%swap3A_131, %swap3A_132], %gather3A_127 {strides = array<i32>} : memref<16x512xf32, #tpu.memory_space<vmem>>, vector<16xf32>,
      %broadcast_in_dim3A_134 = arith.constant 5 : i32
      %broadcast_in_dim3A_135 = vector.broadcast %broadcast_in_dim3A_134 : i32 to vector<16xi32>
      %gather3A_136 = tpu.vector_load_idx %arg6[%broadcast_in_dim3A_135, %get3A_91] : memref<16x4096xf32, #tpu.memory_space<vmem>>[vector<16xi32>, vector<16xi32>], vector<16xf32>,
      %mul3A_137 = arith.constant 16 : i32
      %mul3A_138 = arith.muli %scan3A_88, %mul3A_137 : i32
      %swap3A_139 = arith.constant 5 : i32
      %swap3A_140 = arith.index_cast %swap3A_139 : i32 to index
      %swap3A_141 = arith.index_cast %mul3A_138 : i32 to index
      %swap3A_142 = tpu.vector_load %arg7[%swap3A_140, %swap3A_141] {strides = array<i32>} : memref<16x512xf32, #tpu.memory_space<vmem>>, vector<16xf32>,
      tpu.vector_store %arg7[%swap3A_140, %swap3A_141], %gather3A_136 {strides = array<i32>} : memref<16x512xf32, #tpu.memory_space<vmem>>, vector<16xf32>,
      %broadcast_in_dim3A_143 = arith.constant 6 : i32
      %broadcast_in_dim3A_144 = vector.broadcast %broadcast_in_dim3A_143 : i32 to vector<16xi32>
      %gather3A_145 = tpu.vector_load_idx %arg6[%broadcast_in_dim3A_144, %get3A_91] : memref<16x4096xf32, #tpu.memory_space<vmem>>[vector<16xi32>, vector<16xi32>], vector<16xf32>,
      %mul3A_146 = arith.constant 16 : i32
      %mul3A_147 = arith.muli %scan3A_88, %mul3A_146 : i32
      %swap3A_148 = arith.constant 6 : i32
      %swap3A_149 = arith.index_cast %swap3A_148 : i32 to index
      %swap3A_150 = arith.index_cast %mul3A_147 : i32 to index
      %swap3A_151 = tpu.vector_load %arg7[%swap3A_149, %swap3A_150] {strides = array<i32>} : memref<16x512xf32, #tpu.memory_space<vmem>>, vector<16xf32>,
      tpu.vector_store %arg7[%swap3A_149, %swap3A_150], %gather3A_145 {strides = array<i32>} : memref<16x512xf32, #tpu.memory_space<vmem>>, vector<16xf32>,
      %broadcast_in_dim3A_152 = arith.constant 7 : i32
      %broadcast_in_dim3A_153 = vector.broadcast %broadcast_in_dim3A_152 : i32 to vector<16xi32>
      %gather3A_154 = tpu.vector_load_idx %arg6[%broadcast_in_dim3A_153, %get3A_91] : memref<16x4096xf32, #tpu.memory_space<vmem>>[vector<16xi32>, vector<16xi32>], vector<16xf32>,
      %mul3A_155 = arith.constant 16 : i32
      %mul3A_156 = arith.muli %scan3A_88, %mul3A_155 : i32
      %swap3A_157 = arith.constant 7 : i32
      %swap3A_158 = arith.index_cast %swap3A_157 : i32 to index
      %swap3A_159 = arith.index_cast %mul3A_156 : i32 to index
      %swap3A_160 = tpu.vector_load %arg7[%swap3A_158, %swap3A_159] {strides = array<i32>} : memref<16x512xf32, #tpu.memory_space<vmem>>, vector<16xf32>,
      tpu.vector_store %arg7[%swap3A_158, %swap3A_159], %gather3A_154 {strides = array<i32>} : memref<16x512xf32, #tpu.memory_space<vmem>>, vector<16xf32>,
    }
    %scan3A_30 = arith.constant 32 : i32
    %add3A_31 = arith.constant 0 : i32
    %add3A_32 = arith.addi %mul3A_2, %add3A_31 : i32
    %dma_start3A_33 = arith.constant 0 : i32
    %dma_start3A_34 = arith.constant 0 : i32
    %dma_start3A_35 = tpu.memref_slice %arg7[%dma_start3A_33, %dma_start3A_34] : memref<16x512xf32, #tpu.memory_space<vmem>> -> memref<8x512xf32, #tpu.memory_space<vmem>>
    %dma_start3A_36 = arith.constant 0 : i32
    %dma_start3A_37 = tpu.memref_slice %arg4[%add3A_32, %dma_start3A_36] : memref<512x512xf32, #tpu.memory_space<hbm>> -> memref<8x512xf32, #tpu.memory_space<hbm>>
    %dma_start3A_38 = arith.constant 0 : i32
    %dma_start3A_39 = tpu.memref_slice %arg4[%add3A_32, %dma_start3A_38] : memref<512x512xf32, #tpu.memory_space<hbm>> -> memref<8x512xf32, #tpu.memory_space<hbm>>
    %dma_start3A_40 = arith.constant 0 : i32
    %dma_start3A_41 = arith.constant 0 : i32
    %dma_start3A_42 = tpu.memref_slice %arg7[%dma_start3A_40, %dma_start3A_41] : memref<16x512xf32, #tpu.memory_space<vmem>> -> memref<8x512xf32, #tpu.memory_space<vmem>>
    tpu.enqueue_dma source(%dma_start3A_42 : memref<8x512xf32, #tpu.memory_space<vmem>>) target(%dma_start3A_39 : memref<8x512xf32, #tpu.memory_space<hbm>>) target_semaphore(%arg8 : memref<!tpu.dma_semaphore, #tpu.memory_space<semaphore_mem>>)
    %dma_wait3A_43 = arith.constant 8 : i32
    %dma_wait3A_44 = arith.constant 0 : i32
    %dma_wait3A_45 = tpu.memref_slice %arg6[%dma_wait3A_43, %dma_wait3A_44] : memref<16x4096xf32, #tpu.memory_space<vmem>> -> memref<8x4096xf32, #tpu.memory_space<vmem>>
    %dma_wait3A_46 = tpu.memref_slice %arg5[%add3A_12] : memref<512xi32, #tpu.memory_space<vmem>> -> memref<8xi32, #tpu.memory_space<vmem>>
    %dma_wait3A_47 = arith.constant 0 : i32
    %dma_wait3A_48 = arith.constant 0 : i32
    %dma_wait3A_49 = tpu.memref_slice %arg3[%dma_wait3A_47, %dma_wait3A_48] : memref<4096x4096xf32, #tpu.memory_space<hbm>> -> memref<4096x4096xf32, #tpu.memory_space<hbm>>
    tpu.wait_indirect_dma semaphore(%arg9 : memref<!tpu.dma_semaphore, #tpu.memory_space<semaphore_mem>>) src(%dma_wait3A_49 : memref<4096x4096xf32, #tpu.memory_space<hbm>>) dst(%dma_wait3A_45 : memref<8x4096xf32, #tpu.memory_space<vmem>>)
    %scan3A_50 = arith.constant 0 : i32
    %scan3A_51 = arith.constant 0 : i32
    %scan3A_52 = arith.constant 32 : i32
    %scan3A_53 = arith.addi %scan3A_51, %scan3A_52 : i32
    %scan3A_54 = arith.constant 1 : i32
    scf.for %scan3A_88 = %scan3A_51 to %scan3A_53 step %scan3A_54  : i32 {
      %mul3A_89 = arith.constant 16 : i32
      %mul3A_90 = arith.muli %scan3A_88, %mul3A_89 : i32
      %get3A = arith.index_cast %mul3A_90 : i32 to index
      %get3A_91 = tpu.vector_load %arg5[%get3A] {strides = array<i32>} : memref<512xi32, #tpu.memory_space<vmem>>, vector<16xi32>,
      %broadcast_in_dim3A = arith.constant 8 : i32
      %broadcast_in_dim3A_92 = vector.broadcast %broadcast_in_dim3A : i32 to vector<16xi32>
      %gather3A = tpu.vector_load_idx %arg6[%broadcast_in_dim3A_92, %get3A_91] : memref<16x4096xf32, #tpu.memory_space<vmem>>[vector<16xi32>, vector<16xi32>], vector<16xf32>,
      %mul3A_93 = arith.constant 16 : i32
      %mul3A_94 = arith.muli %scan3A_88, %mul3A_93 : i32
      %swap3A = arith.constant 8 : i32
      %swap3A_95 = arith.index_cast %swap3A : i32 to index
      %swap3A_96 = arith.index_cast %mul3A_94 : i32 to index
      %swap3A_97 = tpu.vector_load %arg7[%swap3A_95, %swap3A_96] {strides = array<i32>} : memref<16x512xf32, #tpu.memory_space<vmem>>, vector<16xf32>,
      tpu.vector_store %arg7[%swap3A_95, %swap3A_96], %gather3A {strides = array<i32>} : memref<16x512xf32, #tpu.memory_space<vmem>>, vector<16xf32>,
      %broadcast_in_dim3A_98 = arith.constant 9 : i32
      %broadcast_in_dim3A_99 = vector.broadcast %broadcast_in_dim3A_98 : i32 to vector<16xi32>
      %gather3A_100 = tpu.vector_load_idx %arg6[%broadcast_in_dim3A_99, %get3A_91] : memref<16x4096xf32, #tpu.memory_space<vmem>>[vector<16xi32>, vector<16xi32>], vector<16xf32>,
      %mul3A_101 = arith.constant 16 : i32
      %mul3A_102 = arith.muli %scan3A_88, %mul3A_101 : i32
      %swap3A_103 = arith.constant 9 : i32
      %swap3A_104 = arith.index_cast %swap3A_103 : i32 to index
      %swap3A_105 = arith.index_cast %mul3A_102 : i32 to index
      %swap3A_106 = tpu.vector_load %arg7[%swap3A_104, %swap3A_105] {strides = array<i32>} : memref<16x512xf32, #tpu.memory_space<vmem>>, vector<16xf32>,
      tpu.vector_store %arg7[%swap3A_104, %swap3A_105], %gather3A_100 {strides = array<i32>} : memref<16x512xf32, #tpu.memory_space<vmem>>, vector<16xf32>,
      %broadcast_in_dim3A_107 = arith.constant 10 : i32
      %broadcast_in_dim3A_108 = vector.broadcast %broadcast_in_dim3A_107 : i32 to vector<16xi32>
      %gather3A_109 = tpu.vector_load_idx %arg6[%broadcast_in_dim3A_108, %get3A_91] : memref<16x4096xf32, #tpu.memory_space<vmem>>[vector<16xi32>, vector<16xi32>], vector<16xf32>,
      %mul3A_110 = arith.constant 16 : i32
      %mul3A_111 = arith.muli %scan3A_88, %mul3A_110 : i32
      %swap3A_112 = arith.constant 10 : i32
      %swap3A_113 = arith.index_cast %swap3A_112 : i32 to index
      %swap3A_114 = arith.index_cast %mul3A_111 : i32 to index
      %swap3A_115 = tpu.vector_load %arg7[%swap3A_113, %swap3A_114] {strides = array<i32>} : memref<16x512xf32, #tpu.memory_space<vmem>>, vector<16xf32>,
      tpu.vector_store %arg7[%swap3A_113, %swap3A_114], %gather3A_109 {strides = array<i32>} : memref<16x512xf32, #tpu.memory_space<vmem>>, vector<16xf32>,
      %broadcast_in_dim3A_116 = arith.constant 11 : i32
      %broadcast_in_dim3A_117 = vector.broadcast %broadcast_in_dim3A_116 : i32 to vector<16xi32>
      %gather3A_118 = tpu.vector_load_idx %arg6[%broadcast_in_dim3A_117, %get3A_91] : memref<16x4096xf32, #tpu.memory_space<vmem>>[vector<16xi32>, vector<16xi32>], vector<16xf32>,
      %mul3A_119 = arith.constant 16 : i32
      %mul3A_120 = arith.muli %scan3A_88, %mul3A_119 : i32
      %swap3A_121 = arith.constant 11 : i32
      %swap3A_122 = arith.index_cast %swap3A_121 : i32 to index
      %swap3A_123 = arith.index_cast %mul3A_120 : i32 to index
      %swap3A_124 = tpu.vector_load %arg7[%swap3A_122, %swap3A_123] {strides = array<i32>} : memref<16x512xf32, #tpu.memory_space<vmem>>, vector<16xf32>,
      tpu.vector_store %arg7[%swap3A_122, %swap3A_123], %gather3A_118 {strides = array<i32>} : memref<16x512xf32, #tpu.memory_space<vmem>>, vector<16xf32>,
      %broadcast_in_dim3A_125 = arith.constant 12 : i32
      %broadcast_in_dim3A_126 = vector.broadcast %broadcast_in_dim3A_125 : i32 to vector<16xi32>
      %gather3A_127 = tpu.vector_load_idx %arg6[%broadcast_in_dim3A_126, %get3A_91] : memref<16x4096xf32, #tpu.memory_space<vmem>>[vector<16xi32>, vector<16xi32>], vector<16xf32>,
      %mul3A_128 = arith.constant 16 : i32
      %mul3A_129 = arith.muli %scan3A_88, %mul3A_128 : i32
      %swap3A_130 = arith.constant 12 : i32
      %swap3A_131 = arith.index_cast %swap3A_130 : i32 to index
      %swap3A_132 = arith.index_cast %mul3A_129 : i32 to index
      %swap3A_133 = tpu.vector_load %arg7[%swap3A_131, %swap3A_132] {strides = array<i32>} : memref<16x512xf32, #tpu.memory_space<vmem>>, vector<16xf32>,
      tpu.vector_store %arg7[%swap3A_131, %swap3A_132], %gather3A_127 {strides = array<i32>} : memref<16x512xf32, #tpu.memory_space<vmem>>, vector<16xf32>,
      %broadcast_in_dim3A_134 = arith.constant 13 : i32
      %broadcast_in_dim3A_135 = vector.broadcast %broadcast_in_dim3A_134 : i32 to vector<16xi32>
      %gather3A_136 = tpu.vector_load_idx %arg6[%broadcast_in_dim3A_135, %get3A_91] : memref<16x4096xf32, #tpu.memory_space<vmem>>[vector<16xi32>, vector<16xi32>], vector<16xf32>,
      %mul3A_137 = arith.constant 16 : i32
      %mul3A_138 = arith.muli %scan3A_88, %mul3A_137 : i32
      %swap3A_139 = arith.constant 13 : i32
      %swap3A_140 = arith.index_cast %swap3A_139 : i32 to index
      %swap3A_141 = arith.index_cast %mul3A_138 : i32 to index
      %swap3A_142 = tpu.vector_load %arg7[%swap3A_140, %swap3A_141] {strides = array<i32>} : memref<16x512xf32, #tpu.memory_space<vmem>>, vector<16xf32>,
      tpu.vector_store %arg7[%swap3A_140, %swap3A_141], %gather3A_136 {strides = array<i32>} : memref<16x512xf32, #tpu.memory_space<vmem>>, vector<16xf32>,
      %broadcast_in_dim3A_143 = arith.constant 14 : i32
      %broadcast_in_dim3A_144 = vector.broadcast %broadcast_in_dim3A_143 : i32 to vector<16xi32>
      %gather3A_145 = tpu.vector_load_idx %arg6[%broadcast_in_dim3A_144, %get3A_91] : memref<16x4096xf32, #tpu.memory_space<vmem>>[vector<16xi32>, vector<16xi32>], vector<16xf32>,
      %mul3A_146 = arith.constant 16 : i32
      %mul3A_147 = arith.muli %scan3A_88, %mul3A_146 : i32
      %swap3A_148 = arith.constant 14 : i32
      %swap3A_149 = arith.index_cast %swap3A_148 : i32 to index
      %swap3A_150 = arith.index_cast %mul3A_147 : i32 to index
      %swap3A_151 = tpu.vector_load %arg7[%swap3A_149, %swap3A_150] {strides = array<i32>} : memref<16x512xf32, #tpu.memory_space<vmem>>, vector<16xf32>,
      tpu.vector_store %arg7[%swap3A_149, %swap3A_150], %gather3A_145 {strides = array<i32>} : memref<16x512xf32, #tpu.memory_space<vmem>>, vector<16xf32>,
      %broadcast_in_dim3A_152 = arith.constant 15 : i32
      %broadcast_in_dim3A_153 = vector.broadcast %broadcast_in_dim3A_152 : i32 to vector<16xi32>
      %gather3A_154 = tpu.vector_load_idx %arg6[%broadcast_in_dim3A_153, %get3A_91] : memref<16x4096xf32, #tpu.memory_space<vmem>>[vector<16xi32>, vector<16xi32>], vector<16xf32>,
      %mul3A_155 = arith.constant 16 : i32
      %mul3A_156 = arith.muli %scan3A_88, %mul3A_155 : i32
      %swap3A_157 = arith.constant 15 : i32
      %swap3A_158 = arith.index_cast %swap3A_157 : i32 to index
      %swap3A_159 = arith.index_cast %mul3A_156 : i32 to index
      %swap3A_160 = tpu.vector_load %arg7[%swap3A_158, %swap3A_159] {strides = array<i32>} : memref<16x512xf32, #tpu.memory_space<vmem>>, vector<16xf32>,
      tpu.vector_store %arg7[%swap3A_158, %swap3A_159], %gather3A_154 {strides = array<i32>} : memref<16x512xf32, #tpu.memory_space<vmem>>, vector<16xf32>,
    }
    %scan3A_55 = arith.constant 32 : i32
    %add3A_56 = arith.constant 8 : i32
    %add3A_57 = arith.addi %mul3A_2, %add3A_56 : i32
    %dma_start3A_58 = arith.constant 8 : i32
    %dma_start3A_59 = arith.constant 0 : i32
    %dma_start3A_60 = tpu.memref_slice %arg7[%dma_start3A_58, %dma_start3A_59] : memref<16x512xf32, #tpu.memory_space<vmem>> -> memref<8x512xf32, #tpu.memory_space<vmem>>
    %dma_start3A_61 = arith.constant 0 : i32
    %dma_start3A_62 = tpu.memref_slice %arg4[%add3A_57, %dma_start3A_61] : memref<512x512xf32, #tpu.memory_space<hbm>> -> memref<8x512xf32, #tpu.memory_space<hbm>>
    %dma_start3A_63 = arith.constant 0 : i32
    %dma_start3A_64 = tpu.memref_slice %arg4[%add3A_57, %dma_start3A_63] : memref<512x512xf32, #tpu.memory_space<hbm>> -> memref<8x512xf32, #tpu.memory_space<hbm>>
    %dma_start3A_65 = arith.constant 8 : i32
    %dma_start3A_66 = arith.constant 0 : i32
    %dma_start3A_67 = tpu.memref_slice %arg7[%dma_start3A_65, %dma_start3A_66] : memref<16x512xf32, #tpu.memory_space<vmem>> -> memref<8x512xf32, #tpu.memory_space<vmem>>
    tpu.enqueue_dma source(%dma_start3A_67 : memref<8x512xf32, #tpu.memory_space<vmem>>) target(%dma_start3A_64 : memref<8x512xf32, #tpu.memory_space<hbm>>) target_semaphore(%arg9 : memref<!tpu.dma_semaphore, #tpu.memory_space<semaphore_mem>>)
    %dma_wait3A_68 = arith.constant 0 : i32
    %dma_wait3A_69 = arith.constant 0 : i32
    %dma_wait3A_70 = tpu.memref_slice %arg7[%dma_wait3A_68, %dma_wait3A_69] : memref<16x512xf32, #tpu.memory_space<vmem>> -> memref<8x512xf32, #tpu.memory_space<vmem>>
    %dma_wait3A_71 = arith.constant 0 : i32
    %dma_wait3A_72 = tpu.memref_slice %arg4[%add3A_32, %dma_wait3A_71] : memref<512x512xf32, #tpu.memory_space<hbm>> -> memref<8x512xf32, #tpu.memory_space<hbm>>
    %dma_wait3A_73 = arith.constant 0 : i32
    %dma_wait3A_74 = tpu.memref_slice %arg4[%add3A_32, %dma_wait3A_73] : memref<512x512xf32, #tpu.memory_space<hbm>> -> memref<8x512xf32, #tpu.memory_space<hbm>>
    %dma_wait3A_75 = arith.constant 0 : i32
    %dma_wait3A_76 = arith.constant 0 : i32
    %dma_wait3A_77 = tpu.memref_slice %arg7[%dma_wait3A_75, %dma_wait3A_76] : memref<16x512xf32, #tpu.memory_space<vmem>> -> memref<8x512xf32, #tpu.memory_space<vmem>>
    tpu.wait_dma2 semaphore(%arg8 : memref<!tpu.dma_semaphore, #tpu.memory_space<semaphore_mem>>) src(%dma_wait3A_77 : memref<8x512xf32, #tpu.memory_space<vmem>>) dst(%dma_wait3A_74 : memref<8x512xf32, #tpu.memory_space<hbm>>)
    %dma_wait3A_78 = arith.constant 8 : i32
    %dma_wait3A_79 = arith.constant 0 : i32
    %dma_wait3A_80 = tpu.memref_slice %arg7[%dma_wait3A_78, %dma_wait3A_79] : memref<16x512xf32, #tpu.memory_space<vmem>> -> memref<8x512xf32, #tpu.memory_space<vmem>>
    %dma_wait3A_81 = arith.constant 0 : i32
    %dma_wait3A_82 = tpu.memref_slice %arg4[%add3A_57, %dma_wait3A_81] : memref<512x512xf32, #tpu.memory_space<hbm>> -> memref<8x512xf32, #tpu.memory_space<hbm>>
    %dma_wait3A_83 = arith.constant 0 : i32
    %dma_wait3A_84 = tpu.memref_slice %arg4[%add3A_57, %dma_wait3A_83] : memref<512x512xf32, #tpu.memory_space<hbm>> -> memref<8x512xf32, #tpu.memory_space<hbm>>
    %dma_wait3A_85 = arith.constant 8 : i32
    %dma_wait3A_86 = arith.constant 0 : i32
    %dma_wait3A_87 = tpu.memref_slice %arg7[%dma_wait3A_85, %dma_wait3A_86] : memref<16x512xf32, #tpu.memory_space<vmem>> -> memref<8x512xf32, #tpu.memory_space<vmem>>
    tpu.wait_dma2 semaphore(%arg9 : memref<!tpu.dma_semaphore, #tpu.memory_space<semaphore_mem>>) src(%dma_wait3A_87 : memref<8x512xf32, #tpu.memory_space<vmem>>) dst(%dma_wait3A_84 : memref<8x512xf32, #tpu.memory_space<hbm>>)
    return
  }
}

module attributes {stable_mosaic.version = 14 : i64} {
  func.func @_tc_dist_body(%arg0: memref<512xi32, #tpu.memory_space<vmem>>, %arg1: memref<4096x128xf32, #tpu.memory_space<vmem>>, %arg2: memref<512x512xbf16, #tpu.memory_space<vmem>>) attributes {dimension_semantics = [], scalar_prefetch = 0 : i64, scratch_operands = 0 : i64, tpu.core_type = #tpu.core_type<tc>} {
    %get3A = arith.constant 0 : index
    %get3A_0 = vector.load %arg0[%get3A] : memref<512xi32, #tpu.memory_space<vmem>>, vector<512xi32>
    %get3A_1 = arith.constant 0 : index
    %get3A_2 = arith.constant 0 : index
    %get3A_3 = vector.load %arg1[%get3A_1, %get3A_2] : memref<4096x128xf32, #tpu.memory_space<vmem>>, vector<4096x128xf32>
    %iota3A = tpu.iota {dimensions = array<i32: 1>} : vector<512x4096xi32>
    %broadcast_in_dim3A = vector.shape_cast %get3A_0 : vector<512xi32> to vector<512x1xi32>
    %eq3A = vector.broadcast %broadcast_in_dim3A : vector<512x1xi32> to vector<512x4096xi32>
    %eq3A_4 = arith.cmpi eq, %iota3A, %eq3A : vector<512x4096xi32>
    %convert_element_type3A = arith.extui %eq3A_4 : vector<512x4096xi1> to vector<512x4096xi32>
    %convert_element_type3A_5 = arith.sitofp %convert_element_type3A : vector<512x4096xi32> to vector<512x4096xf32>
    %dot_general3A = arith.constant dense<0.000000e+00> : vector<512x128xf32>
    %dot_general3A_6 = tpu.matmul %convert_element_type3A_5, %get3A_3, %dot_general3A {dimension_numbers = #tpu.dot_dimension_numbers<[1], [0], [0], [1], [0, 0, 1, 1], [], []>, transpose_lhs_hint = false} : vector<512x4096xf32>, vector<4096x128xf32>, vector<512x128xf32> -> vector<512x128xf32>
    %dot_general3A_7 = arith.constant dense<0.000000e+00> : vector<512x512xf32>
    %dot_general3A_8 = tpu.matmul %dot_general3A_6, %dot_general3A_6, %dot_general3A_7 {dimension_numbers = #tpu.dot_dimension_numbers<[1], [1], [0], [0], [0, 0, 1, 0], [], []>, transpose_lhs_hint = false} : vector<512x128xf32>, vector<512x128xf32>, vector<512x512xf32> -> vector<512x512xf32>
    %mul3A = arith.mulf %dot_general3A_6, %dot_general3A_6 : vector<512x128xf32>
    %reduce_sum3A = arith.constant dense<0.000000e+00> : vector<512xf32>
    %reduce_sum3A_9 = vector.multi_reduction <add>, %mul3A, %reduce_sum3A [1] : vector<512x128xf32> to vector<512xf32>
    %broadcast_in_dim3A_10 = vector.shape_cast %reduce_sum3A_9 : vector<512xf32> to vector<512x1xf32>
    %broadcast_in_dim3A_11 = vector.shape_cast %reduce_sum3A_9 : vector<512xf32> to vector<1x512xf32>
    %add3A = vector.broadcast %broadcast_in_dim3A_10 : vector<512x1xf32> to vector<512x512xf32>
    %add3A_12 = vector.broadcast %broadcast_in_dim3A_11 : vector<1x512xf32> to vector<512x512xf32>
    %add3A_13 = arith.addf %add3A, %add3A_12 : vector<512x512xf32>
    %mul3A_14 = arith.constant 2.000000e+00 : f32
    %mul3A_15 = vector.broadcast %mul3A_14 : f32 to vector<512x512xf32>
    %mul3A_16 = arith.mulf %mul3A_15, %dot_general3A_8 : vector<512x512xf32>
    %sub3A = arith.subf %add3A_13, %mul3A_16 : vector<512x512xf32>
    %add3A_17 = arith.constant 9.99999996E-13 : f32
    %add3A_18 = vector.broadcast %add3A_17 : f32 to vector<512x512xf32>
    %add3A_19 = arith.addf %sub3A, %add3A_18 : vector<512x512xf32>
    %convert_element_type3A_20 = arith.truncf %add3A_19 : vector<512x512xf32> to vector<512x512xbf16>
    %swap3A = arith.constant 0 : index
    %swap3A_21 = arith.constant 0 : index
    %swap3A_22 = vector.load %arg2[%swap3A, %swap3A_21] : memref<512x512xbf16, #tpu.memory_space<vmem>>, vector<512x512xbf16>
    tpu.vector_store %arg2[%swap3A, %swap3A_21], %convert_element_type3A_20 {strides = array<i32>} : memref<512x512xbf16, #tpu.memory_space<vmem>>, vector<512x512xbf16>,
    return
  }
}

module attributes {stable_mosaic.version = 14 : i64} {
  func.func @_tc_loss_body(%arg0: memref<512x512xbf16, #tpu.memory_space<vmem>>, %arg1: memref<512x512xf32, #tpu.memory_space<vmem>>, %arg2: memref<1x1xf32, #tpu.memory_space<smem>>) attributes {dimension_semantics = [], scalar_prefetch = 0 : i64, scratch_operands = 0 : i64, tpu.core_type = #tpu.core_type<tc>} {
    %get3A = arith.constant 0 : index
    %get3A_0 = arith.constant 0 : index
    %get3A_1 = vector.load %arg0[%get3A, %get3A_0] : memref<512x512xbf16, #tpu.memory_space<vmem>>, vector<512x512xbf16>
    %convert_element_type3A = arith.extf %get3A_1 : vector<512x512xbf16> to vector<512x512xf32>
    %get3A_2 = arith.constant 0 : index
    %get3A_3 = arith.constant 0 : index
    %get3A_4 = vector.load %arg1[%get3A_2, %get3A_3] : memref<512x512xf32, #tpu.memory_space<vmem>>, vector<512x512xf32>
    %mul3A = arith.mulf %get3A_4, %get3A_4 : vector<512x512xf32>
    %div3A = arith.divf %convert_element_type3A, %mul3A : vector<512x512xf32>
    %sub3A = arith.constant 1.000000e+00 : f32
    %sub3A_5 = vector.broadcast %sub3A : f32 to vector<512x512xf32>
    %sub3A_6 = arith.subf %div3A, %sub3A_5 : vector<512x512xf32>
    %abs3A = math.absf %sub3A_6 : vector<512x512xf32>
    %iota3A = tpu.iota {dimensions = array<i32: 0>} : vector<512x512xi32>
    %iota3A_7 = tpu.iota {dimensions = array<i32: 1>} : vector<512x512xi32>
    %lt3A = arith.cmpi slt, %iota3A, %iota3A_7 : vector<512x512xi32>
    %jit3A = arith.constant 0.000000e+00 : f32
    %broadcast_in_dim3A = vector.broadcast %jit3A : f32 to vector<512x512xf32>
    %select_n3A = arith.select %lt3A, %abs3A, %broadcast_in_dim3A : vector<512x512xi1>, vector<512x512xf32>
    %reduce_sum3A = vector.shape_cast %select_n3A : vector<512x512xf32> to vector<1x512x512xf32>
    %reduce_sum3A_8 = arith.constant dense<0.000000e+00> : vector<1xf32>
    %reduce_sum3A_9 = vector.multi_reduction <add>, %reduce_sum3A, %reduce_sum3A_8 [1, 2] : vector<1x512x512xf32> to vector<1xf32>
    %reduce_sum3A_10 = vector.shape_cast %reduce_sum3A_9 : vector<1xf32> to vector<1x1x1xf32>
    %reduce_sum3A_11 = vector.extract %reduce_sum3A_10[0, 0, 0] : f32 from vector<1x1x1xf32>
    %swap3A = arith.constant 0 : index
    %swap3A_12 = arith.constant 0 : index
    %swap3A_13 = memref.load %arg2[%swap3A, %swap3A_12] : memref<1x1xf32, #tpu.memory_space<smem>>
    memref.store %reduce_sum3A_11, %arg2[%swap3A, %swap3A_12] : memref<1x1xf32, #tpu.memory_space<smem>>
    return
  }
}

</mosaic_0001>

<sc_bundles>
// kernel: kernel.5.cloned.1.call-start
scs
__scs_entry_jumppad:
0x0: {  	(pc) =	sbr.rel $0x88, $3  }
0x1: {  	(tag) =	ssettag $0x0;
	lr =	simm.s32 $0x1  }
0x2: {  	[smem:$0x3F9E] =	sst lr;
	_ =	strace $0xD0000000  }
0x3: {  	_ = 	snop  }
0x4: {  	_ = 	snop  }
0x5: {  	_ = 	snop  }
0x6: {  	_ = 	snop  }
0x7: {  	_ = 	snop  }
__scs_overlays_trampoline_lowered:
0x8: {  	[smem:$0x3FAD] =	sst s0  }
0x9: {  	[smem:$0x3FAE] =	sst s1  }
0xa: {  	[smem:$0x3FAF] =	sst s2  }
0xb: {  	[smem:$0x3FB0] =	sst s3  }
0xc: {  	[smem:$0x3FB1] =	sst s4  }
0xd: {  	[smem:$0x3FB2] =	sst s5  }
0xe: {  	[smem:$0x3FB3] =	sst s6  }
0xf: {  	[smem:$0x3FB4] =	sst s7  }
0x10: {  	[smem:$0x3FB5] =	sst s8  }
0x11: {  	[smem:$0x3FB6] =	sst s9;
	s0 =	simm.s32 @!p0 $0x0  }
0x12: {  	s1 =	sld [smem:$0x3F9C];
	s0 =	simm.s32 @p0 $0x1  }
0x13: {  	[smem:$0x3FB7] =	sst s0;
	s0 =	simm.s32 @!p1 $0x0  }
0x14: {  	s2 =	sld [smem:$0x3F9B];
	s0 =	simm.s32 @p1 $0x1  }
0x15: {  	[smem:$0x3FB8] =	sst s0;
	s0 =	simm.s32 @!p2 $0x0  }
0x16: {  	s3 =	sld [smem:$0x3FDB];
	s0 =	simm.s32 @p2 $0x1  }
0x17: {  	s4 =	simm.s32 $0x1BF5;
	[smem:$0x3FBA] =	sst s0  }
0x18: {  	s0 =	sld [smem:$0x3F9D];
	_ =	swait.ge [sflag:s4], $0x0  }
0x19: {  	s7 =	sld [smem:$0x3F9E]  }
0x1a: {  	s8 =	sadd.s32 $0xFFFFE003, lr  }
0x1b: {  	s9 =	sadd.s32 $0xFFFFFEF7, lr;
	s5 =	simm.s32 $0xFFFFFFFF;
	p2 =	slt.u32 s8, $0xFFFFF086  }
0x1c: {  	p1 =	slt.u32 s9, $0xF7A;
	s5 =	simm.s32 @!p2 $0x0  }
0x1d: {  	s5 =	simm.s32 @p1 $0x1;
	p0 =	seq.s32 s7, s2  }
0x1e: {  	s7 =	smul.u32 @!p0 $0xF7A, s2;
	p2 =	seq.s32 @!p0 s5, $0x0  }
0x1f: {  	s9 =	smul.u32 $0xF7A, s1;
	s8 =	simm.s32 @!p0 $0x1BF5;
	p2 =	por !p2, p0  }
0x20: {  	[sflag:s8] =	ssyncset.s32 @!p0 $0xFFFFF086;
	s6 =	sadd.s32 @!p0 s3, s7;
	s7 =	simm.s32 @!p0 $0x108  }
0x21: {  	s3 =	sadd.s32 s3, s9;
	s6 =	sadd.s32 @!p0 $0x88, s6;
	s7 =	simm.s32 @p2 $0x1082  }
0x22: {  	[simem:s7], [sflag:s8] =	dma.local @!p0 [hbm:s6], $0xF7A  }
0x23: {  	s9 =	sor.u32 $0xD0000000, s2;
	s6 =	simm.s32 $0x108;
	_ =	swait.ge @!p0 [sflag:s8], $0x0  }
0x24: {  	s3 =	sadd.s32 $0x88, s3;
	s6 =	simm.s32 @!p1 $0x1082;
	[sflag:s4] =	ssyncset.s32 $0xFFFFF086  }
0x25: {  	[simem:s6], [sflag:s4] =	dma.local [hbm:s3], $0xF7A  }
0x26: {  	[smem:$0x3F9E] =	sst s1;
	(tag) =	ssettag s2;
	_ =	strace s9  }
0x27: {  	s1 =	sld [smem:$0x3FAE]  }
0x28: {  	s2 =	sld [smem:$0x3FAF]  }
0x29: {  	s4 =	sld [smem:$0x3FB1]  }
0x2a: {  	p0 =	seq.s32 s5, $0x0;
	s5 =	sld [smem:$0x3FB2]  }
0x2b: {  	s6 =	sld [smem:$0x3FB3]  }
0x2c: {  	s7 =	sld [smem:$0x3FB4]  }
0x2d: {  	s3 =	simm.s32 $0x108;
	s8 =	sld [smem:$0x3FB5]  }
0x2e: {  	s3 =	simm.s32 @!p0 $0x1082;
	s9 =	sld [smem:$0x3FB6]  }
0x2f: {  	lr =	sadd.s32 s0, s3;
	s0 =	sld [smem:$0x3FAD]  }
0x30: {  	s3 =	sld [smem:$0x3FB0]  }
0x31: {  	[smem:$0x3FB9] =	sst s10  }
0x32: {  	s10 =	sld [smem:$0x3FB7];
	_ =	sdelay $0x3  }
0x33: {  	p0 =	seq.s32 s10, $0x1;
	s10 =	sld [smem:$0x3FB9];
	_ =	sdelay $0x3  }
0x34: {  	[smem:$0x3FB9] =	sst s10  }
0x35: {  	s10 =	sld [smem:$0x3FB8];
	_ =	sdelay $0x3  }
0x36: {  	p1 =	seq.s32 s10, $0x1;
	s10 =	sld [smem:$0x3FB9];
	_ =	sdelay $0x3  }
0x37: {  	[smem:$0x3FB9] =	sst s10  }
0x38: {  	s10 =	sld [smem:$0x3FBA]  }
0x39: {  	_ = 	snop;
	(pc) =	sbr.ind lr, $3  }
0x3a: {  	_ = 	snop  }
0x3b: {  	_ = 	snop  }
0x3c: {  	p2 =	seq.s32 s10, $0x1;
	s10 =	sld [smem:$0x3FB9]  }
0x3d: {  	_ =	shalt  }
0x3e: {  	_ =	shalt  }
0x3f: {  	_ =	shalt  }
0x40: {  	_ =	shalt  }
0x41: {  	_ =	shalt  }
0x42: {  	_ =	shalt  }
0x43: {  	_ =	shalt  }
0x44: {  	_ =	shalt  }
0x45: {  	_ =	shalt  }
0x46: {  	_ =	shalt  }
0x47: {  	_ =	shalt  }
0x48: {  	_ =	shalt  }
0x49: {  	_ =	shalt  }
0x4a: {  	_ =	shalt  }
0x4b: {  	_ =	shalt  }
0x4c: {  	_ =	shalt  }
0x4d: {  	_ =	shalt  }
0x4e: {  	_ =	shalt  }
0x4f: {  	_ =	shalt  }
0x50: {  	_ =	shalt  }
0x51: {  	_ =	shalt  }
0x52: {  	_ =	shalt  }
0x53: {  	_ =	shalt  }
0x54: {  	_ =	shalt  }
0x55: {  	_ =	shalt  }
0x56: {  	_ =	shalt  }
0x57: {  	_ =	shalt  }
0x58: {  	_ =	shalt  }
0x59: {  	_ =	shalt  }
0x5a: {  	_ =	shalt  }
0x5b: {  	_ =	shalt  }
0x5c: {  	_ =	shalt  }
0x5d: {  	_ =	shalt  }
0x5e: {  	_ =	shalt  }
0x5f: {  	_ =	shalt  }
0x60: {  	_ =	shalt  }
0x61: {  	_ =	shalt  }
0x62: {  	_ =	shalt  }
0x63: {  	_ =	shalt  }
0x64: {  	_ =	shalt  }
0x65: {  	_ =	shalt  }
0x66: {  	_ =	shalt  }
0x67: {  	_ =	shalt  }
0x68: {  	_ =	shalt  }
0x69: {  	_ =	shalt  }
0x6a: {  	_ =	shalt  }
0x6b: {  	_ =	shalt  }
0x6c: {  	_ =	shalt  }
0x6d: {  	_ =	shalt  }
0x6e: {  	_ =	shalt  }
0x6f: {  	_ =	shalt  }
0x70: {  	_ =	shalt  }
0x71: {  	_ =	shalt  }
0x72: {  	_ =	shalt  }
0x73: {  	_ =	shalt  }
0x74: {  	_ =	shalt  }
0x75: {  	_ =	shalt  }
0x76: {  	_ =	shalt  }
0x77: {  	_ =	shalt  }
0x78: {  	_ =	shalt  }
0x79: {  	_ =	shalt  }
0x7a: {  	_ =	shalt  }
0x7b: {  	_ =	shalt  }
0x7c: {  	_ =	shalt  }
0x7d: {  	_ =	shalt  }
0x7e: {  	_ =	shalt  }
0x7f: {  	_ =	shalt  }
0x80: {  	_ =	shalt  }
0x81: {  	_ =	shalt  }
0x82: {  	_ =	shalt  }
0x83: {  	_ =	shalt  }
0x84: {  	_ =	shalt  }
0x85: {  	_ =	shalt  }
0x86: {  	_ =	shalt  }
0x87: {  	_ =	shalt  }
.Lfunc_end0:
.L_simem_size_0:
called_computation_lowered:
.L_overlay_start_0:
0x88: {  	s2 =	sld [smem:$0x3FD9]  }
0x89: {  	s3 =	sld [smem:$0x3FFE];
	_ =	sdelay $0x1  }
0x8a: {  	s1 =	srdreg.scid  }
0x8b: {  	s0 =	sand.u32 $0x1, s1  }
0x8c: {  	s17 =	sshll.u32 s0, $0xA;
	s2 =	sadd.s32 s3, s2  }
0x8d: {  	s2 =	sadd.s32 s2, s17  }
0x8e: {  	[smem:$0x3FC5] =	sst s2  }
0x8f: {  	_ = 	snop  }
0x90: {  	s2 =	sld [smem:$0x3FC9]  }
0x91: {  	s18 =	sld [smem:$0x3FC7];
	(tm) =	ssettm $0x1  }
0x92: {  	s4 =	sld [smem:$0x3FFB];
	_ =	sdelay $0x3  }
0x93: {  	_ =	strace s4  }
0x94: {  	s4 =	sld [smem:$0x3FFC];
	_ =	sdelay $0x3  }
0x95: {  	_ =	strace s4  }
0x96: {  	s4 =	sld [smem:$0x3FFD];
	_ =	sdelay $0x3  }
0x97: {  	_ =	strace s4  }
0x98: {  	_ =	strace $0x8FFFFFFF  }
0x99: {  	s19 =	sld [smem:$0x3FDB];
	_ =	sdelay $0x1  }
0x9a: {  	s5 =	simm.s32 $_scs_section_size  }
0x9b: {  	s6 =	simm.s32 $_size__tile_overlayer_lowered;
	s7 =	simm.s32 $_tile_overlayer_lowered  }
0x9c: {  	s22 =	simm.s32 $0x1BFF;
	s21 =	sshll.u32 s7, $0x1;
	s4 =	sadd.s32 s5, s19  }
0x9d: {  	s8 =	simm.s32 $0x0;
	s20 =	sshll.u32 s6, $0x1;
	s6 =	sadd.s32 s21, s4  }
0x9e: {  	[timem:s8], [sflag:s22] =	dma.local [hbm:s6], s20  }
0x9f: {  	_ =	swait.ge [sflag:s22], s20  }
0xa0: {  	s5 =	ssub.s32 $0x0, s20;
	[sflag:s22] =	ssyncset.done $0x0  }
0xa1: {  	[sflag:s22] =	ssyncadd.s32 s5;
	_ =	sdelay $0x1  }
0xa2: {  	s23 =	simm.s32 $0x1B8B  }
0xa3: {  	_ =	swait.ge [sflag:s23], $0x1  }
0xa4: {  	[sflag:s23] =	ssyncset.done $0x0  }
0xa5: {  	s25 =	simm.s32 $0x1B8E;
	s24 =	sld [smem:$0x3FFE];
	[sflag:s23] =	ssyncadd.s32 $0xFFFFFFFF  }
0xa6: {  	s26 =	simm.s32 $execute0_lowered;
	[smem:$0x3FD2] =	sst s25  }
0xa7: {  	s6 =	sshll.u32 s26, $0x1;
	_ =	strace $0x80000046;
	[dreg:$0x1] =	wrdreg $0xFFFFFFFF  }
0xa8: {  	s28 =	simm.s32 $_size_execute0_lowered;
	s4 =	sadd.s32 s4, s6;
	[dreg:$0x0] =	wrdreg $0x0  }
0xa9: {  	s6 =	sshll.u32 s28, $0x1;
	[dreg:$0x2] =	wrdreg s4  }
0xaa: {  	[dreg:$0x3] =	wrdreg s6  }
0xab: {  	[dreg:$0x4] =	wrdreg $0xC0  }
0xac: {  	_ =	task [dreg:s8], $0x5FFFF  }
0xad: {  	[dreg:$0x1] =	wrdreg $0xFFFFFFFF  }
0xae: {  	[dreg:$0x0] =	wrdreg $0x60  }
0xaf: {  	[dreg:$0x2] =	wrdreg s2  }
0xb0: {  	[dreg:$0x3] =	wrdreg s18  }
0xb1: {  	[dreg:$0x4] =	wrdreg s24  }
0xb2: {  	[dreg:$0x5] =	wrdreg $0x9  }
0xb3: {  	_ =	task.clear_ibuf [dreg:s8], $0x6FFFF;
	_ =	strace $0x90000046  }
0xb4: {  	s29 =	simm.s32 $0x9;
	_ =	strace $0x80000048  }
0xb5: {  	_ =	swait.ge [sflag:s29], $0x1  }
0xb6: {  	[sflag:s29] =	ssyncadd.s32 $0xFFFFFFFF  }
0xb7: {  	_ =	strace $0x90000048  }
0xb8: {  	_ =	sfence  }
0xb9: {  	s30 =	sld [smem:$0x0];
	_ =	sdelay $0x2  }
0xba: {  	s31 =	sshll.u32 s1, $0xD;
	s1 =	sshrl.u32 s1, $0x2  }
0xbb: {  	s3 =	sand.u32 $0x4000, s31;
	s1 =	sadd.s32 s1, s30  }
0xbc: {  	s0 =	sor.u32 s3, s0;
	s1 =	sshll.u32 s1, $0x11  }
0xbd: {  	s0 =	sor.u32 s1, s0  }
0xbe: {  	s0 =	sadd.s32 $0x8F2B, s0  }
0xbf: {  	[sflag:s0] =	ssyncadd.remote.s32 $0x1  }
0xc0: {  	_ =	sfence.sel $0xFFFF  }
0xc1: {  	[dreg:$0x0] =	wrdreg $0xFFFFFFFF;
	(pc) =	sbr.abs _section_cstart, $3  }
0xc2: {  	[dreg:$0x1] =	wrdreg $0xFFFFFFFF  }
0xc3: {  	_ =	task.clear_ibuf [dreg:s8], $0x2FFFF;
	_ =	strace $0x9FFFFFFF  }
0xc4: {  	(tm) =	ssettm $0x7FFFFFFF  }
0xc5: {  	_ =	shalt  }
tec
execute0_lowered:
.L_overlay_start_1:
0x0: {  	(tag) =	ssettag $0x1  }
0x1: {  	s2 =	rddreg [dreg:$0x1]  }
0x2: {  	s0 =	rddreg [dreg:$0x2];
	s3 =	simm.s32 $0x0;
	s1 =	srdreg.scid  }
0x3: {  	s6 =	stileid.u32;
	s25 =	simm.s32 $0x3;
	s26 =	simm.s32 $0x200  }
0x4: {  	s31 =	simm.s32 $0x1;
	s28 =	simm.s32 $0x0;
	[smem:$0x7FF] =	sst s3  }
0x5: {  	s1 =	sand.u32 $0x1, s1;
	s0 =	sadd.s32 $0xA00, s0;
	s30 =	sshll.u32 s6, $0x5  }
0x6: {  	s6 =	sadd.s32 $0x100, s2;
	s7 =	sadd.s32 $0x200, s2;
	s8 =	sadd.s32 $0x300, s2  }
0x7: {  	s9 =	sadd.s32 $0x400, s2;
	s10 =	sadd.s32 $0x500, s2;
	s11 =	sadd.s32 $0x600, s2  }
0x8: {  	s12 =	sadd.s32 $0x700, s2;
	s13 =	sadd.s32 $0x800, s2;
	s14 =	sadd.s32 $0x900, s2  }
0x9: {  	s15 =	sadd.s32 $0xA00, s2;
	s16 =	sadd.s32 $0xB00, s2;
	s4 =	ssub.s32 $0x2, s1  }
0xa: {  	s17 =	sadd.s32 $0xC00, s2;
	s1 =	sshll.u32 s1, $0x4;
	s5 =	sshrl.u32 s4, $0x1  }
0xb: {  	s18 =	sadd.s32 $0xD00, s2;
	s4 =	ssub.s32 s4, s5;
	s5 =	sor.u32 s1, s30  }
0xc: {  	s20 =	sadd.s32 $0xE00, s2;
	s19 =	sor.u32 $0x8, s5;
	s1 =	sshll.u32 s5, $0x6  }
0xd: {  	v0 =	vlaneseq.u32;
	s21 =	sadd.s32 $0xF00, s2;
	s23 =	sshll.u32 s19, $0x6;
	s1 =	sadd.s32 s0, s1  }
0xe: {  	v1 =	vshrl.u32 v0, $0x3;
	_ =	strace $0x80000047;
	[dreg:$0x4] =	wrdreg s1;
	s0 =	sadd.s32 s0, s23  }
0xf: {  	vm0 =	vmmov $0xffff;
	v0 =	vand.u32 $0x7, v0;
	v1 =	vmul.u32 $0x8, v1;
	s24 =	smax.u32 s4, $0x1;
	s4 =	simm.s32 $0x2;
	[dreg:$0x5] =	wrdreg s0  }
.LBB2_1:
0x10: {  	s0 =	rddreg [dreg:$0x0]  }
0x11: {  	[tilespmem:s3], [sflag:$0x3] =	stream.linear.gather [hbm4b:s0+s3], $0x200, $0x38;
	[tilespmem:$0x12200] =	vst v63  }
0x12: {  	_ =	swait.ge [sflag:s25], $0x200  }
0x13: {  	[sflag:s25] =	ssyncset.done $0x0  }
0x14: {  	[sflag:s25] =	ssyncadd.s32 $0xFFFFFE00  }
0x15: {  	v2 =	vld.msk [tilespmem:s5+$0x0], $0xff;
	_ =	sdelay $0x4  }
0x16: {  	v3 =	vshll.u32 v2, $0x5  }
0x17: {  	v2 =	vand.u32 $0x7, v2;
	v3 =	vand.u32 $0xFFFFFF00, v3  }
0x18: {  	v2 =	vor.u32 v2, v3  }
0x19: {  	v2 =	vperm.xlane v2, v0;
	_ =	sdelay $0x1  }
0x1a: {  	v2 =	vadd.s32 v1, v2;
	_ =	sdelay $0x4  }
0x1b: {  	[tilespmem:s26], [sflag:$0x1] =	stream.indirect_vreg.gather [hbm4b:s2+s3], $0x80, v2, vm0, $0xb8;
	[tilespmem:$0x12200] =	vst v63  }
0x1c: {  	s1 =	simm.s32 $0xA00  }
0x1d: {  	[tilespmem:s1], [sflag:$0x1] =	stream.indirect_vreg.gather [hbm4b:s6+s3], $0x80, v2, vm0, $0xb8;
	[tilespmem:$0x12200] =	vst v63  }
0x1e: {  	s22 =	simm.s32 $0x1200  }
0x1f: {  	[tilespmem:s22], [sflag:$0x1] =	stream.indirect_vreg.gather [hbm4b:s7+s3], $0x80, v2, vm0, $0xb8;
	[tilespmem:$0x12200] =	vst v63  }
0x20: {  	s23 =	simm.s32 $0x1A00  }
0x21: {  	[tilespmem:s23], [sflag:$0x1] =	stream.indirect_vreg.gather [hbm4b:s8+s3], $0x80, v2, vm0, $0xb8;
	[tilespmem:$0x12200] =	vst v63  }
0x22: {  	s1 =	simm.s32 $0x2200  }
0x23: {  	[tilespmem:s1], [sflag:$0x1] =	stream.indirect_vreg.gather [hbm4b:s9+s3], $0x80, v2, vm0, $0xb8;
	[tilespmem:$0x12200] =	vst v63  }
0x24: {  	s22 =	simm.s32 $0x2A00  }
0x25: {  	[tilespmem:s22], [sflag:$0x1] =	stream.indirect_vreg.gather [hbm4b:s10+s3], $0x80, v2, vm0, $0xb8;
	[tilespmem:$0x12200] =	vst v63  }
0x26: {  	s23 =	simm.s32 $0x3200  }
0x27: {  	[tilespmem:s23], [sflag:$0x1] =	stream.indirect_vreg.gather [hbm4b:s11+s3], $0x80, v2, vm0, $0xb8;
	[tilespmem:$0x12200] =	vst v63  }
0x28: {  	s1 =	simm.s32 $0x3A00  }
0x29: {  	[tilespmem:s1], [sflag:$0x1] =	stream.indirect_vreg.gather [hbm4b:s12+s3], $0x80, v2, vm0, $0xb8;
	[tilespmem:$0x12200] =	vst v63  }
0x2a: {  	s22 =	simm.s32 $0x4200  }
0x2b: {  	[tilespmem:s22], [sflag:$0x1] =	stream.indirect_vreg.gather [hbm4b:s13+s3], $0x80, v2, vm0, $0xb8;
	[tilespmem:$0x12200] =	vst v63  }
0x2c: {  	s23 =	simm.s32 $0x4A00  }
0x2d: {  	[tilespmem:s23], [sflag:$0x1] =	stream.indirect_vreg.gather [hbm4b:s14+s3], $0x80, v2, vm0, $0xb8;
	[tilespmem:$0x12200] =	vst v63  }
0x2e: {  	s1 =	simm.s32 $0x5200  }
0x2f: {  	[tilespmem:s1], [sflag:$0x1] =	stream.indirect_vreg.gather [hbm4b:s15+s3], $0x80, v2, vm0, $0xb8;
	[tilespmem:$0x12200] =	vst v63  }
0x30: {  	s22 =	simm.s32 $0x5A00  }
0x31: {  	[tilespmem:s22], [sflag:$0x1] =	stream.indirect_vreg.gather [hbm4b:s16+s3], $0x80, v2, vm0, $0xb8;
	[tilespmem:$0x12200] =	vst v63  }
0x32: {  	s23 =	simm.s32 $0x6200  }
0x33: {  	[tilespmem:s23], [sflag:$0x1] =	stream.indirect_vreg.gather [hbm4b:s17+s3], $0x80, v2, vm0, $0xb8;
	[tilespmem:$0x12200] =	vst v63  }
0x34: {  	s1 =	simm.s32 $0x6A00  }
0x35: {  	[tilespmem:s1], [sflag:$0x1] =	stream.indirect_vreg.gather [hbm4b:s18+s3], $0x80, v2, vm0, $0xb8;
	[tilespmem:$0x12200] =	vst v63  }
0x36: {  	s22 =	simm.s32 $0x7200  }
0x37: {  	[tilespmem:s22], [sflag:$0x1] =	stream.indirect_vreg.gather [hbm4b:s20+s3], $0x80, v2, vm0, $0xb8;
	[tilespmem:$0x12200] =	vst v63  }
0x38: {  	s23 =	simm.s32 $0x7A00  }
0x39: {  	[tilespmem:s23], [sflag:$0x1] =	stream.indirect_vreg.gather [hbm4b:s21+s3], $0x80, v2, vm0, $0xb8;
	[tilespmem:$0x12200] =	vst v63  }
0x3a: {  	v2 =	vld.msk [tilespmem:s19+$0x0], $0xff;
	_ =	sdelay $0x4  }
0x3b: {  	v3 =	vshll.u32 v2, $0x5  }
0x3c: {  	v2 =	vand.u32 $0x7, v2;
	v3 =	vand.u32 $0xFFFFFF00, v3  }
0x3d: {  	v2 =	vor.u32 v2, v3  }
0x3e: {  	v2 =	vperm.xlane v2, v0;
	_ =	sdelay $0x1  }
0x3f: {  	v2 =	vadd.s32 v1, v2;
	_ =	sdelay $0x3  }
0x40: {  	s1 =	simm.s32 $0x8200  }
0x41: {  	[tilespmem:s1], [sflag:$0x2] =	stream.indirect_vreg.gather [hbm4b:s2+s3], $0x80, v2, vm0, $0xb8;
	[tilespmem:$0x12200] =	vst v63  }
0x42: {  	s22 =	simm.s32 $0x8A00  }
0x43: {  	[tilespmem:s22], [sflag:$0x2] =	stream.indirect_vreg.gather [hbm4b:s6+s3], $0x80, v2, vm0, $0xb8;
	[tilespmem:$0x12200] =	vst v63  }
0x44: {  	s23 =	simm.s32 $0x9200  }
0x45: {  	[tilespmem:s23], [sflag:$0x2] =	stream.indirect_vreg.gather [hbm4b:s7+s3], $0x80, v2, vm0, $0xb8;
	[tilespmem:$0x12200] =	vst v63  }
0x46: {  	s1 =	simm.s32 $0x9A00  }
0x47: {  	[tilespmem:s1], [sflag:$0x2] =	stream.indirect_vreg.gather [hbm4b:s8+s3], $0x80, v2, vm0, $0xb8;
	[tilespmem:$0x12200] =	vst v63  }
0x48: {  	s22 =	simm.s32 $0xA200  }
0x49: {  	[tilespmem:s22], [sflag:$0x2] =	stream.indirect_vreg.gather [hbm4b:s9+s3], $0x80, v2, vm0, $0xb8;
	[tilespmem:$0x12200] =	vst v63  }
0x4a: {  	s23 =	simm.s32 $0xAA00  }
0x4b: {  	[tilespmem:s23], [sflag:$0x2] =	stream.indirect_vreg.gather [hbm4b:s10+s3], $0x80, v2, vm0, $0xb8;
	[tilespmem:$0x12200] =	vst v63  }
0x4c: {  	s1 =	simm.s32 $0xB200  }
0x4d: {  	[tilespmem:s1], [sflag:$0x2] =	stream.indirect_vreg.gather [hbm4b:s11+s3], $0x80, v2, vm0, $0xb8;
	[tilespmem:$0x12200] =	vst v63  }
0x4e: {  	s22 =	simm.s32 $0xBA00  }
0x4f: {  	[tilespmem:s22], [sflag:$0x2] =	stream.indirect_vreg.gather [hbm4b:s12+s3], $0x80, v2, vm0, $0xb8;
	[tilespmem:$0x12200] =	vst v63  }
0x50: {  	s23 =	simm.s32 $0xC200  }
0x51: {  	[tilespmem:s23], [sflag:$0x2] =	stream.indirect_vreg.gather [hbm4b:s13+s3], $0x80, v2, vm0, $0xb8;
	[tilespmem:$0x12200] =	vst v63  }
0x52: {  	s1 =	simm.s32 $0xCA00  }
0x53: {  	[tilespmem:s1], [sflag:$0x2] =	stream.indirect_vreg.gather [hbm4b:s14+s3], $0x80, v2, vm0, $0xb8;
	[tilespmem:$0x12200] =	vst v63  }
0x54: {  	s22 =	simm.s32 $0xD200  }
0x55: {  	[tilespmem:s22], [sflag:$0x2] =	stream.indirect_vreg.gather [hbm4b:s15+s3], $0x80, v2, vm0, $0xb8;
	[tilespmem:$0x12200] =	vst v63  }
0x56: {  	s23 =	simm.s32 $0xDA00  }
0x57: {  	[tilespmem:s23], [sflag:$0x2] =	stream.indirect_vreg.gather [hbm4b:s16+s3], $0x80, v2, vm0, $0xb8;
	[tilespmem:$0x12200] =	vst v63  }
0x58: {  	s1 =	simm.s32 $0xE200  }
0x59: {  	[tilespmem:s1], [sflag:$0x2] =	stream.indirect_vreg.gather [hbm4b:s17+s3], $0x80, v2, vm0, $0xb8;
	[tilespmem:$0x12200] =	vst v63  }
0x5a: {  	s22 =	simm.s32 $0xEA00  }
0x5b: {  	[tilespmem:s22], [sflag:$0x2] =	stream.indirect_vreg.gather [hbm4b:s18+s3], $0x80, v2, vm0, $0xb8;
	[tilespmem:$0x12200] =	vst v63  }
0x5c: {  	s23 =	simm.s32 $0xF200  }
0x5d: {  	[tilespmem:s23], [sflag:$0x2] =	stream.indirect_vreg.gather [hbm4b:s20+s3], $0x80, v2, vm0, $0xb8;
	[tilespmem:$0x12200] =	vst v63  }
0x5e: {  	s1 =	simm.s32 $0xFA00  }
0x5f: {  	[tilespmem:s1], [sflag:$0x2] =	stream.indirect_vreg.gather [hbm4b:s21+s3], $0x80, v2, vm0, $0xb8;
	[tilespmem:$0x12200] =	vst v63  }
0x60: {  	_ =	swait.ge [sflag:s31], $0x8000  }
0x61: {  	[sflag:s31] =	ssyncset.done $0x0  }
0x62: {  	[sflag:s31] =	ssyncadd.s32 $0xFFFF8000  }
0x63: {  	v2 =	vld [tilespmem:s3+$0x0];
	_ =	sdelay $0x4  }
0x64: {  	v3 =	vshll.u32 v2, $0x3  }
0x65: {  	v2 =	vand.u32 $0x7F, v2;
	v3 =	vand.u32 $0xFFFFFC00, v3  }
0x66: {  	v2 =	vor.u32 v2, v3;
	_ =	sdelay $0x4  }
0x67: {  	v3 =	vld.idx.msk [tilespmem:v2+s26+$0x0], $0xffff  }
0x68: {  	v4 =	vor.u32 $0x80, v2;
	_ =	sdelay $0x1  }
0x69: {  	s22 =	sand.u32 $0x70, s3;
	s1 =	sand.u32 $0xC00, s3  }
0x6a: {  	s0 =	sor.u32 s22, s1  }
0x6b: {  	[tilespmem:s0+$0x10200] =	vst v3  }
0x6c: {  	v3 =	vld.idx.msk [tilespmem:v4+s26+$0x0], $0xffff  }
0x6d: {  	v59 =	vor.u32 $0x100, v2;
	_ =	sdelay $0x3  }
0x6e: {  	[tilespmem:s0+$0x10280] =	vst v3  }
0x6f: {  	v3 =	vld.idx.msk [tilespmem:v59+s26+$0x0], $0xffff  }
0x70: {  	v60 =	vor.u32 $0x180, v2;
	_ =	sdelay $0x3  }
0x71: {  	[tilespmem:s0+$0x10300] =	vst v3  }
0x72: {  	v3 =	vld.idx.msk [tilespmem:v60+s26+$0x0], $0xffff  }
0x73: {  	v61 =	vor.u32 $0x200, v2;
	_ =	sdelay $0x3  }
0x74: {  	[tilespmem:s0+$0x10380] =	vst v3  }
0x75: {  	v3 =	vld.idx.msk [tilespmem:v61+s26+$0x0], $0xffff  }
0x76: {  	v62 =	vor.u32 $0x280, v2;
	_ =	sdelay $0x3  }
0x77: {  	[tilespmem:s0+$0x10400] =	vst v3  }
0x78: {  	v3 =	vld.idx.msk [tilespmem:v62+s26+$0x0], $0xffff  }
0x79: {  	v63 =	vor.u32 $0x300, v2;
	_ =	sdelay $0x3  }
0x7a: {  	[tilespmem:s0+$0x10480] =	vst v3  }
0x7b: {  	v3 =	vld.idx.msk [tilespmem:v63+s26+$0x0], $0xffff  }
0x7c: {  	v2 =	vor.u32 $0x380, v2;
	_ =	sdelay $0x3  }
0x7d: {  	[tilespmem:s0+$0x10500] =	vst v3  }
0x7e: {  	v2 =	vld.idx.msk [tilespmem:v2+s26+$0x0], $0xffff;
	_ =	sdelay $0x2  }
0x7f: {  	s29 =	simm.s32 $0x10;
	s23 =	sor.u32 s3, s3  }
0x80: {  	s30 =	simm.s32 $0x0;
	s1 =	sor.u32 $0x380, s23;
	s0 =	simm.s32 $0x0  }
.LBB2_2:
0x81: {  	p0 =	sne.s32 s29, $0x1F0;
	[tilespmem:s1+$0x10200] =	vst v2;
	s30 =	sadd.s32 $0x80, s30;
	s0 =	sadd.s32 $0x10, s0  }
0x82: {  	s1 =	smov.u32 s29;
	s29 =	sadd.s32 $0x10, s29;
	v2 =	vld [tilespmem:s0+$0x0];
	_ =	sdelay $0x4  }
0x83: {  	v3 =	vshll.u32 v2, $0x3  }
0x84: {  	v2 =	vand.u32 $0x7F, v2;
	v3 =	vand.u32 $0xFFFFFC00, v3  }
0x85: {  	v2 =	vor.u32 v2, v3;
	_ =	sdelay $0x4  }
0x86: {  	v3 =	vld.idx.msk [tilespmem:v2+s26+$0x0], $0xffff;
	_ =	sdelay $0x1  }
0x87: {  	v4 =	vor.u32 $0x80, v2;
	_ =	sdelay $0x1  }
0x88: {  	s22 =	sand.u32 $0x70, s1;
	s23 =	sand.u32 $0xC00, s30  }
0x89: {  	s22 =	sor.u32 s22, s23  }
0x8a: {  	[tilespmem:s22+$0x10200] =	vst v3  }
0x8b: {  	v3 =	vld.idx.msk [tilespmem:v4+s26+$0x0], $0xffff;
	_ =	sdelay $0x1  }
0x8c: {  	v4 =	vor.u32 $0x100, v2;
	_ =	sdelay $0x3  }
0x8d: {  	[tilespmem:s22+$0x10280] =	vst v3  }
0x8e: {  	v3 =	vld.idx.msk [tilespmem:v4+s26+$0x0], $0xffff;
	_ =	sdelay $0x1  }
0x8f: {  	v4 =	vor.u32 $0x180, v2;
	_ =	sdelay $0x3  }
0x90: {  	[tilespmem:s22+$0x10300] =	vst v3  }
0x91: {  	v3 =	vld.idx.msk [tilespmem:v4+s26+$0x0], $0xffff;
	_ =	sdelay $0x1  }
0x92: {  	v4 =	vor.u32 $0x200, v2;
	_ =	sdelay $0x3  }
0x93: {  	[tilespmem:s22+$0x10380] =	vst v3  }
0x94: {  	v3 =	vld.idx.msk [tilespmem:v4+s26+$0x0], $0xffff;
	_ =	sdelay $0x1  }
0x95: {  	v4 =	vor.u32 $0x280, v2;
	_ =	sdelay $0x3  }
0x96: {  	[tilespmem:s22+$0x10400] =	vst v3  }
0x97: {  	v3 =	vld.idx.msk [tilespmem:v4+s26+$0x0], $0xffff;
	_ =	sdelay $0x1  }
0x98: {  	v4 =	vor.u32 $0x300, v2;
	_ =	sdelay $0x3  }
0x99: {  	[tilespmem:s22+$0x10480] =	vst v3  }
0x9a: {  	v3 =	vld.idx.msk [tilespmem:v4+s26+$0x0], $0xffff;
	_ =	sdelay $0x1  }
0x9b: {  	v2 =	vor.u32 $0x380, v2;
	_ =	sdelay $0x3  }
0x9c: {  	[tilespmem:s22+$0x10500] =	vst v3  }
0x9d: {  	v2 =	vld.idx.msk [tilespmem:v2+s26+$0x0], $0xffff  }
.Ltmp0:
0x9e: {  	(pc) =	sbr.rel @p0 .LBB2_2-.Ltmp0, $3  }
0x9f: {  	_ =	sdelay $0x1  }
0xa0: {  	s1 =	sor.u32 s30, s1  }
0xa1: {  	s1 =	sor.u32 $0x380, s1  }
0xa2: {  	[tilespmem:s1+$0x10200] =	vst v2;
	s29 =	simm.s32 $0x0;
	s0 =	rddreg [dreg:$0x4];
	s23 =	simm.s32 $0x10200  }
0xa3: {  	[hbm4b:s0+s29] =	stream.linear.scatter [tilespmem:s23], [sflag:$0x1], $0x1000, $0x38;
	[tilespmem:$0x12200] =	vst v63  }
0xa4: {  	_ =	swait.ge [sflag:s4], $0x8000  }
0xa5: {  	[sflag:s4] =	ssyncset.done $0x0  }
0xa6: {  	[sflag:s4] =	ssyncadd.s32 $0xFFFF8000  }
0xa7: {  	v2 =	vld [tilespmem:s29+$0x0];
	_ =	sdelay $0x4  }
0xa8: {  	v3 =	vshll.u32 v2, $0x3  }
0xa9: {  	v2 =	vand.u32 $0x7F, v2;
	v3 =	vand.u32 $0xFFFFFC00, v3  }
0xaa: {  	v2 =	vor.u32 v2, v3  }
0xab: {  	v3 =	vadd.s32 $0x8000, v2;
	_ =	sdelay $0x4  }
0xac: {  	v3 =	vld.idx.msk [tilespmem:v3+s26+$0x0], $0xffff  }
0xad: {  	v4 =	vadd.s32 $0x8080, v2;
	_ =	sdelay $0x1  }
0xae: {  	s22 =	sand.u32 $0x70, s29;
	s23 =	sand.u32 $0xC00, s29  }
0xaf: {  	s1 =	sor.u32 s22, s23  }
0xb0: {  	[tilespmem:s1+$0x11200] =	vst v3  }
0xb1: {  	v3 =	vld.idx.msk [tilespmem:v4+s26+$0x0], $0xffff  }
0xb2: {  	v59 =	vadd.s32 $0x8100, v2;
	_ =	sdelay $0x3  }
0xb3: {  	[tilespmem:s1+$0x11280] =	vst v3  }
0xb4: {  	v3 =	vld.idx.msk [tilespmem:v59+s26+$0x0], $0xffff  }
0xb5: {  	v60 =	vadd.s32 $0x8180, v2;
	_ =	sdelay $0x3  }
0xb6: {  	[tilespmem:s1+$0x11300] =	vst v3  }
0xb7: {  	v3 =	vld.idx.msk [tilespmem:v60+s26+$0x0], $0xffff  }
0xb8: {  	v61 =	vadd.s32 $0x8200, v2;
	_ =	sdelay $0x3  }
0xb9: {  	[tilespmem:s1+$0x11380] =	vst v3  }
0xba: {  	v3 =	vld.idx.msk [tilespmem:v61+s26+$0x0], $0xffff  }
0xbb: {  	v62 =	vadd.s32 $0x8280, v2;
	_ =	sdelay $0x3  }
0xbc: {  	[tilespmem:s1+$0x11400] =	vst v3  }
0xbd: {  	v3 =	vld.idx.msk [tilespmem:v62+s26+$0x0], $0xffff  }
0xbe: {  	v63 =	vadd.s32 $0x8300, v2;
	_ =	sdelay $0x3  }
0xbf: {  	[tilespmem:s1+$0x11480] =	vst v3  }
0xc0: {  	v3 =	vld.idx.msk [tilespmem:v63+s26+$0x0], $0xffff  }
0xc1: {  	v2 =	vadd.s32 $0x8380, v2;
	_ =	sdelay $0x3  }
0xc2: {  	[tilespmem:s1+$0x11500] =	vst v3  }
0xc3: {  	s30 =	simm.s32 $0x0;
	s0 =	simm.s32 $0x10;
	v2 =	vld.idx.msk [tilespmem:v2+s26+$0x0], $0xffff  }
.LBB2_4:
0xc4: {  	_ =	sdelay $0x3  }
0xc5: {  	p0 =	sne.s32 s0, $0x1F0;
	s29 =	sadd.s32 $0x80, s29;
	s30 =	sadd.s32 $0x10, s30;
	[tilespmem:s1+$0x11580] =	vst v2  }
0xc6: {  	s1 =	smov.u32 s0;
	s0 =	sadd.s32 $0x10, s0;
	v2 =	vld [tilespmem:s30+$0x0];
	_ =	sdelay $0x4  }
0xc7: {  	v3 =	vshll.u32 v2, $0x3  }
0xc8: {  	v2 =	vand.u32 $0x7F, v2;
	v3 =	vand.u32 $0xFFFFFC00, v3  }
0xc9: {  	v2 =	vor.u32 v2, v3  }
0xca: {  	v3 =	vadd.s32 $0x8000, v2;
	_ =	sdelay $0x4  }
0xcb: {  	v3 =	vld.idx.msk [tilespmem:v3+s26+$0x0], $0xffff;
	_ =	sdelay $0x1  }
0xcc: {  	v4 =	vadd.s32 $0x8080, v2;
	_ =	sdelay $0x1  }
0xcd: {  	s22 =	sand.u32 $0xC00, s29;
	s1 =	sand.u32 $0x70, s1  }
0xce: {  	s1 =	sor.u32 s1, s22  }
0xcf: {  	[tilespmem:s1+$0x11200] =	vst v3  }
0xd0: {  	v3 =	vld.idx.msk [tilespmem:v4+s26+$0x0], $0xffff;
	_ =	sdelay $0x1  }
0xd1: {  	v4 =	vadd.s32 $0x8100, v2;
	_ =	sdelay $0x3  }
0xd2: {  	[tilespmem:s1+$0x11280] =	vst v3  }
0xd3: {  	v3 =	vld.idx.msk [tilespmem:v4+s26+$0x0], $0xffff;
	_ =	sdelay $0x1  }
0xd4: {  	v4 =	vadd.s32 $0x8180, v2;
	_ =	sdelay $0x3  }
0xd5: {  	[tilespmem:s1+$0x11300] =	vst v3  }
0xd6: {  	v3 =	vld.idx.msk [tilespmem:v4+s26+$0x0], $0xffff;
	_ =	sdelay $0x1  }
0xd7: {  	v4 =	vadd.s32 $0x8200, v2;
	_ =	sdelay $0x3  }
0xd8: {  	[tilespmem:s1+$0x11380] =	vst v3  }
0xd9: {  	v3 =	vld.idx.msk [tilespmem:v4+s26+$0x0], $0xffff;
	_ =	sdelay $0x1  }
0xda: {  	v4 =	vadd.s32 $0x8280, v2;
	_ =	sdelay $0x3  }
0xdb: {  	[tilespmem:s1+$0x11400] =	vst v3  }
0xdc: {  	v3 =	vld.idx.msk [tilespmem:v4+s26+$0x0], $0xffff;
	_ =	sdelay $0x1  }
0xdd: {  	v4 =	vadd.s32 $0x8300, v2;
	_ =	sdelay $0x3  }
0xde: {  	[tilespmem:s1+$0x11480] =	vst v3  }
0xdf: {  	v3 =	vld.idx.msk [tilespmem:v4+s26+$0x0], $0xffff;
	_ =	sdelay $0x1  }
0xe0: {  	v2 =	vadd.s32 $0x8380, v2  }
.Ltmp1:
0xe1: {  	(pc) =	sbr.rel @p0 .LBB2_4-.Ltmp1, $3  }
0xe2: {  	_ =	sdelay $0x1  }
0xe3: {  	[tilespmem:s1+$0x11500] =	vst v3  }
0xe4: {  	v2 =	vld.idx.msk [tilespmem:v2+s26+$0x0], $0xffff  }
0xe5: {  	_ =	sdelay $0x3  }
0xe6: {  	s0 =	rddreg [dreg:$0x5];
	s30 =	simm.s32 $0x11200;
	s28 =	sadd.s32 $0x1, s28;
	[tilespmem:s1+$0x11580] =	vst v2  }
0xe7: {  	[hbm4b:s0+s3] =	stream.linear.scatter [tilespmem:s30], [sflag:$0x2], $0x1000, $0x38;
	[tilespmem:$0x12200] =	vst v63  }
0xe8: {  	p0 =	sne.s32 s28, s24;
	_ =	swait.ge [sflag:s31], $0x1000  }
.Ltmp2:
0xe9: {  	[sflag:s31] =	ssyncset.done $0x0;
	(pc) =	sbr.rel @p0 .LBB2_1-.Ltmp2, $4  }
0xea: {  	[sflag:s31] =	ssyncadd.s32 $0xFFFFF000  }
0xeb: {  	_ =	swait.ge [sflag:s4], $0x1000  }
0xec: {  	[sflag:s4] =	ssyncset.done $0x0  }
0xed: {  	[sflag:s4] =	ssyncadd.s32 $0xFFFFF000  }
0xee: {  	_ =	sfence.sel $0x180000  }
0xef: {  	[bflag:$0x0] =	sbarrier.arrive $0xFFFF  }
0xf0: {  	_ =	strace $0x90000047  }
0xf1: {  	s0 =	stileid.u32;
	[bflag:$0x2] =	sbarrier.arrive $0xFFFF  }
0xf2: {  	p0 =	sne.s32 s0, $0x0;
	s0 =	rddreg [dreg:$0x3]  }
0xf3: {  	s0 =	sadd.s32 @!p0 $0x100000, s0  }
0xf4: {  	[sflag:s0] =	ssyncadd.tile.s32 @!p0 $0x1;
	_ =	shalt  }
.Lfunc_end2:
_tile_overlayer_lowered:
.L_overlay_start_2:
0xf5: {  	(tag) =	ssettag $0x2  }
0xf6: {  	s0 =	rddreg [dreg:$0x0];
	s2 =	stileid.u32  }
0xf7: {  	s1 =	rddreg [dreg:$0x1];
	p0 =	sne.s32 s2, $0x0  }
0xf8: {  	s3 =	rddreg [dreg:$0x2];
	[bflag:$0x3] =	sbarrier.arrive $0xFFFF;
	s2 =	simm.s32 @!p0 $0x1C03  }
0xf9: {  	[timem:s3], [sflag:s2] =	dma.local @!p0 [hbm:s0], s1  }
0xfa: {  	s0 =	simm.s32 @!p0 $0x3  }
0xfb: {  	_ =	swait.ge @!p0 [sflag:s0], s1  }
0xfc: {  	s1 =	ssub.s32 @!p0 $0x0, s1;
	[sflag:s0] =	ssyncset.done @!p0 $0x0  }
0xfd: {  	[sflag:s0] =	ssyncadd.s32 @!p0 s1  }
0xfe: {  	[bflag:$0x3] =	sbarrier.arrive $0xFFFF  }
0xff: {  	_ =	shalt  }

</sc_bundles>
